<compile_context>
chip_gen: v7x
topology: tpu7x:2x2x1
jax: 0.10.2.dev20260603
libtpu: 0.0.44.dev20260713+nightly
codegen_flags: <defaults>
</compile_context>

<pallas_src>
import functools

import jax
import jax.numpy as jnp
from jax import lax
from jax.experimental import pallas as pl
from jax.experimental.pallas import tpu as pltpu
from jax.experimental.pallas import tpu_sc as plsc

_TOP_K = 8
_NUM_EXPERTS = 64
_BLOCK_M = 1024
_KEY_LOW = 0x3D820000
_KEY_HIGH = 0x3F7FFFFF


def _score_kernel(x_ref, w_ref, s_ref):
    x = x_ref[...]
    w = w_ref[...]
    scores = jax.lax.dot_general(
        x, w, (((1,), (1,)), ((), ())), preferred_element_type=jnp.float32
    )
    s_ref[...] = jax.nn.sigmoid(scores)


def _scores(x, gate_weight):
    n = x.shape[0]
    return pl.pallas_call(
        _score_kernel,
        grid=(n // _BLOCK_M,),
        in_specs=[
            pl.BlockSpec((_BLOCK_M, x.shape[1]), lambda i: (i, 0)),
            pl.BlockSpec(gate_weight.shape, lambda i: (0, 0)),
        ],
        out_specs=pl.BlockSpec((_BLOCK_M, _NUM_EXPERTS), lambda i: (i, 0)),
        out_shape=jax.ShapeDtypeStruct((n, _NUM_EXPERTS), jnp.float32),
    )(x, gate_weight)


def _sc_topk_keys(sbits):
    n = sbits.shape[0]
    nc, lanes = 2, 16
    nw = 32
    rows_w = n // nw
    chunk = 128
    mesh = plsc.VectorSubcoreMesh(core_axis_name="c", subcore_axis_name="s")

    @functools.partial(
        pl.kernel,
        mesh=mesh,
        out_type=jax.ShapeDtypeStruct((n, lanes), jnp.int32),
        scratch_types=[
            pltpu.VMEM((chunk, _NUM_EXPERTS), jnp.int32),
            pltpu.VMEM((chunk, lanes), jnp.int32),
        ],
    )
    def k(sbits_hbm, keys_hbm, buf, winv):
        wid = lax.axis_index("s") * nc + lax.axis_index("c")
        base = wid * rows_w
        iota = lax.iota(jnp.int32, 16)

        def chunk_body(ci, _):
            start = base + ci * chunk
            pltpu.sync_copy(sbits_hbm.at[pl.ds(start, chunk)], buf)

            def row_body(r, _):
                ks = []
                for j in range(4):
                    b = buf[r, pl.ds(j * 16, 16)]
                    b = jnp.clip(b, _KEY_LOW, _KEY_HIGH)
                    kj = ((b - _KEY_LOW) << 6) | (63 - (j * 16 + iota))
                    ks.append(kj)
                win0 = jnp.zeros((16,), jnp.int32)

                def sel_body(t, carry):
                    k0, k1, k2, k3, win = carry
                    m = jnp.maximum(
                        jnp.maximum(k0, k1), jnp.maximum(k2, k3)
                    )
                    for d in (8, 4, 2, 1):
                        perm = m.at[iota ^ d].get(mode="promise_in_bounds")
                        m = jnp.maximum(m, perm)
                    top = m
                    win = jnp.where(iota == t, top, win)
                    k0 = jnp.where(k0 == top, -1, k0)
                    k1 = jnp.where(k1 == top, -1, k1)
                    k2 = jnp.where(k2 == top, -1, k2)
                    k3 = jnp.where(k3 == top, -1, k3)
                    return (k0, k1, k2, k3, win)

                carry = lax.fori_loop(
                    0, _TOP_K, sel_body, (ks[0], ks[1], ks[2], ks[3], win0)
                )
                winv[r] = carry[4]
                return 0

            lax.fori_loop(0, chunk, row_body, 0)
            pltpu.sync_copy(winv, keys_hbm.at[pl.ds(start, chunk)])
            return 0

        lax.fori_loop(0, rows_w // chunk, chunk_body, 0)

    return k(sbits)


def kernel(x, gate_weight):
    s = _scores(x, gate_weight)
    sbits = jax.lax.bitcast_convert_type(s, jnp.int32)
    k16 = _sc_topk_keys(sbits)
    k8 = k16[:, :_TOP_K]
    idx = (_NUM_EXPERTS - 1) - (k8 & (_NUM_EXPERTS - 1))
    v = jax.lax.bitcast_convert_type((k8 >> 6) + _KEY_LOW, jnp.float32)
    denom = jnp.sum(v, axis=1, keepdims=True) + 1e-20
    return v / denom, idx

# --- scband reference (transcript-rebuilt; emitter-appended) ---
"""Pipeline reference for scband-token-choice-top-krouter-5299989643590 (READ-ONLY COPY).

The authoritative reference and input builder live on the scoring server;
editing this copy changes nothing except your own understanding.
"""

import jax, jax.numpy as jnp
import numpy as np

TOP_K = 8
ROUTE_SCALE = 1.0

def setup_inputs(seed: int = 0) -> dict:
    key = jax.random.key(seed)
    k1, k2 = jax.random.split(key)
    x = jax.random.normal(k1, (32768, 4096), dtype=jnp.float32)
    gate_weight = jax.random.normal(k2, (64, 4096), dtype=jnp.float32) * 0.02
    return {"x": x, "gate_weight": gate_weight}

def reference(x, gate_weight):
    # scores = F.linear(x, gate_weight) -> x @ gate_weight.T
    scores = jnp.dot(x, gate_weight.T)
    # score_func == 'sigmoid'
    scores = jax.nn.sigmoid(scores.astype(jnp.float32))
    # top-k routing (no expert_bias)
    top_scores, selected_experts_indices = jax.lax.top_k(scores, TOP_K)
    # route_norm for sigmoid
    denominator = jnp.sum(top_scores, axis=-1, keepdims=True) + 1e-20
    top_scores = top_scores / denominator
    top_scores = top_scores * ROUTE_SCALE
    return (top_scores, selected_experts_indices)

if __name__ == "__main__":
    import jax
    _d = setup_inputs()
    print(jax.jit(kernel)(*tuple(_d.values())))

</pallas_src>

<mosaic_0001>
#map = affine_map<(d0, d1) -> (0, 0)>
module attributes {stable_mosaic.version = 14 : i64} {
  func.func @k(%arg0: i32, %arg1: i32, %arg2: memref<32768x64xi32, #tpu.memory_space<hbm>>, %arg3: memref<32768x16xi32, #tpu.memory_space<hbm>>, %arg4: memref<128x64xi32, #tpu.memory_space<vmem>>, %arg5: memref<128x16xi32, #tpu.memory_space<vmem>>) attributes {dimension_semantics = [#tpu.dimension_semantics<core_parallel>, #tpu.dimension_semantics<subcore_parallel>], iteration_bounds = array<i64: 2, 16>, scalar_prefetch = 0 : i64, scratch_operands = 2 : i64, tpu.core_type = #tpu.core_type<sc_vector_subcore>, window_params = [{transform_indices = #map}, {transform_indices = #map}]} {
    %mul3A = arith.constant 2 : i32
    %mul3A_0 = arith.muli %arg1, %mul3A : i32
    %add3A = arith.addi %mul3A_0, %arg0 : i32
    %mul3A_1 = arith.constant 1024 : i32
    %mul3A_2 = arith.muli %add3A, %mul3A_1 : i32
    %iota3A = tpu.iota {dimensions = array<i32: 0>} : vector<16xi32>
    %scan3A = arith.constant 0 : i32
    %scan3A_3 = arith.constant 0 : i32
    %scan3A_4 = arith.constant 8 : i32
    %scan3A_5 = arith.addi %scan3A_3, %scan3A_4 : i32
    %scan3A_6 = arith.constant 1 : i32
    %scan3A_7 = scf.for %scan3A_9 = %scan3A_3 to %scan3A_5 step %scan3A_6 iter_args(%scan3A_10 = %scan3A) -> (i32)  : i32 {
      %mul3A_11 = arith.constant 128 : i32
      %mul3A_12 = arith.muli %scan3A_9, %mul3A_11 : i32
      %add3A_13 = arith.addi %mul3A_2, %mul3A_12 : i32
      "tpu.region"() ({
        %run_scoped3A = tpu.sem_alloc : memref<!tpu.dma_semaphore, #tpu.memory_space<semaphore_mem>>
        %dma_start3A = arith.constant 0 : i32
        %dma_start3A_22 = tpu.memref_slice %arg2[%add3A_13, %dma_start3A] : memref<32768x64xi32, #tpu.memory_space<hbm>> -> memref<128x64xi32, #tpu.memory_space<hbm>>
        %dma_start3A_23 = arith.constant 0 : i32
        %dma_start3A_24 = tpu.memref_slice %arg2[%add3A_13, %dma_start3A_23] : memref<32768x64xi32, #tpu.memory_space<hbm>> -> memref<128x64xi32, #tpu.memory_space<hbm>>
        tpu.enqueue_dma source(%dma_start3A_24 : memref<128x64xi32, #tpu.memory_space<hbm>>) target(%arg4 : memref<128x64xi32, #tpu.memory_space<vmem>>) target_semaphore(%run_scoped3A : memref<!tpu.dma_semaphore, #tpu.memory_space<semaphore_mem>>)
        %dma_wait3A = arith.constant 0 : i32
        %dma_wait3A_25 = tpu.memref_slice %arg2[%add3A_13, %dma_wait3A] : memref<32768x64xi32, #tpu.memory_space<hbm>> -> memref<128x64xi32, #tpu.memory_space<hbm>>
        %dma_wait3A_26 = arith.constant 0 : i32
        %dma_wait3A_27 = tpu.memref_slice %arg2[%add3A_13, %dma_wait3A_26] : memref<32768x64xi32, #tpu.memory_space<hbm>> -> memref<128x64xi32, #tpu.memory_space<hbm>>
        tpu.wait_dma2 semaphore(%run_scoped3A : memref<!tpu.dma_semaphore, #tpu.memory_space<semaphore_mem>>) src(%dma_wait3A_27 : memref<128x64xi32, #tpu.memory_space<hbm>>) dst(%arg4 : memref<128x64xi32, #tpu.memory_space<vmem>>)
        tpu.yield
      }) : () -> ()
      %scan3A_14 = arith.constant 0 : i32
      %scan3A_15 = arith.constant 0 : i32
      %scan3A_16 = arith.constant 128 : i32
      %scan3A_17 = arith.addi %scan3A_15, %scan3A_16 : i32
      %scan3A_18 = arith.constant 1 : i32
      %scan3A_19 = scf.for %scan3A_22 = %scan3A_15 to %scan3A_17 step %scan3A_18 iter_args(%scan3A_23 = %scan3A_14) -> (i32)  : i32 {
        %get3A = arith.index_cast %scan3A_22 : i32 to index
        %get3A_24 = arith.constant 0 : index
        %get3A_25 = tpu.vector_load %arg4[%get3A, %get3A_24] {strides = array<i32>} : memref<128x64xi32, #tpu.memory_space<vmem>>, vector<1x16xi32>,
        %get3A_26 = vector.shape_cast %get3A_25 : vector<1x16xi32> to vector<16xi32>
        %jit3A = arith.constant 1031929856 : i32
        %jit3A_27 = arith.constant 1065353215 : i32
        %max3A = vector.broadcast %jit3A : i32 to vector<16xi32>
        %max3A_28 = arith.maxsi %max3A, %get3A_26 : vector<16xi32>
        %min3A = vector.broadcast %jit3A_27 : i32 to vector<16xi32>
        %min3A_29 = arith.minsi %min3A, %max3A_28 : vector<16xi32>
        %sub3A = arith.constant 1031929856 : i32
        %sub3A_30 = vector.broadcast %sub3A : i32 to vector<16xi32>
        %sub3A_31 = arith.subi %min3A_29, %sub3A_30 : vector<16xi32>
        %shift_left3A = arith.constant 6 : i32
        %shift_left3A_32 = vector.broadcast %shift_left3A : i32 to vector<16xi32>
        %shift_left3A_33 = arith.shli %sub3A_31, %shift_left3A_32 : vector<16xi32>
        %add3A_34 = arith.constant 0 : i32
        %add3A_35 = vector.broadcast %add3A_34 : i32 to vector<16xi32>
        %add3A_36 = arith.addi %add3A_35, %iota3A : vector<16xi32>
        %sub3A_37 = arith.constant 63 : i32
        %sub3A_38 = vector.broadcast %sub3A_37 : i32 to vector<16xi32>
        %sub3A_39 = arith.subi %sub3A_38, %add3A_36 : vector<16xi32>
        %or3A = arith.ori %shift_left3A_33, %sub3A_39 : vector<16xi32>
        %get3A_40 = arith.index_cast %scan3A_22 : i32 to index
        %get3A_41 = arith.constant 16 : index
        %get3A_42 = tpu.vector_load %arg4[%get3A_40, %get3A_41] {strides = array<i32>} : memref<128x64xi32, #tpu.memory_space<vmem>>, vector<1x16xi32>,
        %get3A_43 = vector.shape_cast %get3A_42 : vector<1x16xi32> to vector<16xi32>
        %jit3A_44 = arith.constant 1031929856 : i32
        %jit3A_45 = arith.constant 1065353215 : i32
        %max3A_46 = vector.broadcast %jit3A_44 : i32 to vector<16xi32>
        %max3A_47 = arith.maxsi %max3A_46, %get3A_43 : vector<16xi32>
        %min3A_48 = vector.broadcast %jit3A_45 : i32 to vector<16xi32>
        %min3A_49 = arith.minsi %min3A_48, %max3A_47 : vector<16xi32>
        %sub3A_50 = arith.constant 1031929856 : i32
        %sub3A_51 = vector.broadcast %sub3A_50 : i32 to vector<16xi32>
        %sub3A_52 = arith.subi %min3A_49, %sub3A_51 : vector<16xi32>
        %shift_left3A_53 = arith.constant 6 : i32
        %shift_left3A_54 = vector.broadcast %shift_left3A_53 : i32 to vector<16xi32>
        %shift_left3A_55 = arith.shli %sub3A_52, %shift_left3A_54 : vector<16xi32>
        %add3A_56 = arith.constant 16 : i32
        %add3A_57 = vector.broadcast %add3A_56 : i32 to vector<16xi32>
        %add3A_58 = arith.addi %add3A_57, %iota3A : vector<16xi32>
        %sub3A_59 = arith.constant 63 : i32
        %sub3A_60 = vector.broadcast %sub3A_59 : i32 to vector<16xi32>
        %sub3A_61 = arith.subi %sub3A_60, %add3A_58 : vector<16xi32>
        %or3A_62 = arith.ori %shift_left3A_55, %sub3A_61 : vector<16xi32>
        %get3A_63 = arith.index_cast %scan3A_22 : i32 to index
        %get3A_64 = arith.constant 32 : index
        %get3A_65 = tpu.vector_load %arg4[%get3A_63, %get3A_64] {strides = array<i32>} : memref<128x64xi32, #tpu.memory_space<vmem>>, vector<1x16xi32>,
        %get3A_66 = vector.shape_cast %get3A_65 : vector<1x16xi32> to vector<16xi32>
        %jit3A_67 = arith.constant 1031929856 : i32
        %jit3A_68 = arith.constant 1065353215 : i32
        %max3A_69 = vector.broadcast %jit3A_67 : i32 to vector<16xi32>
        %max3A_70 = arith.maxsi %max3A_69, %get3A_66 : vector<16xi32>
        %min3A_71 = vector.broadcast %jit3A_68 : i32 to vector<16xi32>
        %min3A_72 = arith.minsi %min3A_71, %max3A_70 : vector<16xi32>
        %sub3A_73 = arith.constant 1031929856 : i32
        %sub3A_74 = vector.broadcast %sub3A_73 : i32 to vector<16xi32>
        %sub3A_75 = arith.subi %min3A_72, %sub3A_74 : vector<16xi32>
        %shift_left3A_76 = arith.constant 6 : i32
        %shift_left3A_77 = vector.broadcast %shift_left3A_76 : i32 to vector<16xi32>
        %shift_left3A_78 = arith.shli %sub3A_75, %shift_left3A_77 : vector<16xi32>
        %add3A_79 = arith.constant 32 : i32
        %add3A_80 = vector.broadcast %add3A_79 : i32 to vector<16xi32>
        %add3A_81 = arith.addi %add3A_80, %iota3A : vector<16xi32>
        %sub3A_82 = arith.constant 63 : i32
        %sub3A_83 = vector.broadcast %sub3A_82 : i32 to vector<16xi32>
        %sub3A_84 = arith.subi %sub3A_83, %add3A_81 : vector<16xi32>
        %or3A_85 = arith.ori %shift_left3A_78, %sub3A_84 : vector<16xi32>
        %get3A_86 = arith.index_cast %scan3A_22 : i32 to index
        %get3A_87 = arith.constant 48 : index
        %get3A_88 = tpu.vector_load %arg4[%get3A_86, %get3A_87] {strides = array<i32>} : memref<128x64xi32, #tpu.memory_space<vmem>>, vector<1x16xi32>,
        %get3A_89 = vector.shape_cast %get3A_88 : vector<1x16xi32> to vector<16xi32>
        %jit3A_90 = arith.constant 1031929856 : i32
        %jit3A_91 = arith.constant 1065353215 : i32
        %max3A_92 = vector.broadcast %jit3A_90 : i32 to vector<16xi32>
        %max3A_93 = arith.maxsi %max3A_92, %get3A_89 : vector<16xi32>
        %min3A_94 = vector.broadcast %jit3A_91 : i32 to vector<16xi32>
        %min3A_95 = arith.minsi %min3A_94, %max3A_93 : vector<16xi32>
        %sub3A_96 = arith.constant 1031929856 : i32
        %sub3A_97 = vector.broadcast %sub3A_96 : i32 to vector<16xi32>
        %sub3A_98 = arith.subi %min3A_95, %sub3A_97 : vector<16xi32>
        %shift_left3A_99 = arith.constant 6 : i32
        %shift_left3A_100 = vector.broadcast %shift_left3A_99 : i32 to vector<16xi32>
        %shift_left3A_101 = arith.shli %sub3A_98, %shift_left3A_100 : vector<16xi32>
        %add3A_102 = arith.constant 48 : i32
        %add3A_103 = vector.broadcast %add3A_102 : i32 to vector<16xi32>
        %add3A_104 = arith.addi %add3A_103, %iota3A : vector<16xi32>
        %sub3A_105 = arith.constant 63 : i32
        %sub3A_106 = vector.broadcast %sub3A_105 : i32 to vector<16xi32>
        %sub3A_107 = arith.subi %sub3A_106, %add3A_104 : vector<16xi32>
        %or3A_108 = arith.ori %shift_left3A_101, %sub3A_107 : vector<16xi32>
        %broadcast_in_dim3A = arith.constant 0 : i32
        %broadcast_in_dim3A_109 = vector.broadcast %broadcast_in_dim3A : i32 to vector<16xi32>
        %scan3A_110 = arith.constant 0 : i32
        %scan3A_111 = arith.constant 8 : i32
        %scan3A_112 = arith.addi %scan3A_110, %scan3A_111 : i32
        %scan3A_113 = arith.constant 1 : i32
        %scan3A_114:5 = scf.for %scan3A_121 = %scan3A_110 to %scan3A_112 step %scan3A_113 iter_args(%scan3A_122 = %or3A, %scan3A_123 = %or3A_62, %scan3A_124 = %or3A_85, %scan3A_125 = %or3A_108, %scan3A_126 = %broadcast_in_dim3A_109) -> (vector<16xi32>, vector<16xi32>, vector<16xi32>, vector<16xi32>, vector<16xi32>)  : i32 {
          %max3A_127 = arith.maxsi %scan3A_122, %scan3A_123 : vector<16xi32>
          %max3A_128 = arith.maxsi %scan3A_124, %scan3A_125 : vector<16xi32>
          %max3A_129 = arith.maxsi %max3A_127, %max3A_128 : vector<16xi32>
          %xor3A = arith.constant 8 : i32
          %xor3A_130 = vector.broadcast %xor3A : i32 to vector<16xi32>
          %xor3A_131 = arith.xori %iota3A, %xor3A_130 : vector<16xi32>
          %lt3A = arith.constant 0 : i32
          %lt3A_132 = vector.broadcast %lt3A : i32 to vector<16xi32>
          %lt3A_133 = arith.cmpi slt, %xor3A_131, %lt3A_132 : vector<16xi32>
          %add3A_134 = arith.constant 16 : i32
          %add3A_135 = vector.broadcast %add3A_134 : i32 to vector<16xi32>
          %add3A_136 = arith.addi %xor3A_131, %add3A_135 : vector<16xi32>
          %select_n3A = arith.select %lt3A_133, %add3A_136, %xor3A_131 : vector<16xi1>, vector<16xi32>
          %broadcast_in_dim3A_137 = vector.shape_cast %select_n3A : vector<16xi32> to vector<16x1xi32>
          %gather3A = vector.shape_cast %broadcast_in_dim3A_137 : vector<16x1xi32> to vector<16xi32>
          %gather3A_138 = tpu.dynamic_gather %max3A_129[%gather3A] in [0] : vector<16xi32>, vector<16xi32> -> vector<16xi32>
          %max3A_139 = arith.maxsi %max3A_129, %gather3A_138 : vector<16xi32>
          %xor3A_140 = arith.constant 4 : i32
          %xor3A_141 = vector.broadcast %xor3A_140 : i32 to vector<16xi32>
          %xor3A_142 = arith.xori %iota3A, %xor3A_141 : vector<16xi32>
          %lt3A_143 = arith.constant 0 : i32
          %lt3A_144 = vector.broadcast %lt3A_143 : i32 to vector<16xi32>
          %lt3A_145 = arith.cmpi slt, %xor3A_142, %lt3A_144 : vector<16xi32>
          %add3A_146 = arith.constant 16 : i32
          %add3A_147 = vector.broadcast %add3A_146 : i32 to vector<16xi32>
          %add3A_148 = arith.addi %xor3A_142, %add3A_147 : vector<16xi32>
          %select_n3A_149 = arith.select %lt3A_145, %add3A_148, %xor3A_142 : vector<16xi1>, vector<16xi32>
          %broadcast_in_dim3A_150 = vector.shape_cast %select_n3A_149 : vector<16xi32> to vector<16x1xi32>
          %gather3A_151 = vector.shape_cast %broadcast_in_dim3A_150 : vector<16x1xi32> to vector<16xi32>
          %gather3A_152 = tpu.dynamic_gather %max3A_139[%gather3A_151] in [0] : vector<16xi32>, vector<16xi32> -> vector<16xi32>
          %max3A_153 = arith.maxsi %max3A_139, %gather3A_152 : vector<16xi32>
          %xor3A_154 = arith.constant 2 : i32
          %xor3A_155 = vector.broadcast %xor3A_154 : i32 to vector<16xi32>
          %xor3A_156 = arith.xori %iota3A, %xor3A_155 : vector<16xi32>
          %lt3A_157 = arith.constant 0 : i32
          %lt3A_158 = vector.broadcast %lt3A_157 : i32 to vector<16xi32>
          %lt3A_159 = arith.cmpi slt, %xor3A_156, %lt3A_158 : vector<16xi32>
          %add3A_160 = arith.constant 16 : i32
          %add3A_161 = vector.broadcast %add3A_160 : i32 to vector<16xi32>
          %add3A_162 = arith.addi %xor3A_156, %add3A_161 : vector<16xi32>
          %select_n3A_163 = arith.select %lt3A_159, %add3A_162, %xor3A_156 : vector<16xi1>, vector<16xi32>
          %broadcast_in_dim3A_164 = vector.shape_cast %select_n3A_163 : vector<16xi32> to vector<16x1xi32>
          %gather3A_165 = vector.shape_cast %broadcast_in_dim3A_164 : vector<16x1xi32> to vector<16xi32>
          %gather3A_166 = tpu.dynamic_gather %max3A_153[%gather3A_165] in [0] : vector<16xi32>, vector<16xi32> -> vector<16xi32>
          %max3A_167 = arith.maxsi %max3A_153, %gather3A_166 : vector<16xi32>
          %xor3A_168 = arith.constant 1 : i32
          %xor3A_169 = vector.broadcast %xor3A_168 : i32 to vector<16xi32>
          %xor3A_170 = arith.xori %iota3A, %xor3A_169 : vector<16xi32>
          %lt3A_171 = arith.constant 0 : i32
          %lt3A_172 = vector.broadcast %lt3A_171 : i32 to vector<16xi32>
          %lt3A_173 = arith.cmpi slt, %xor3A_170, %lt3A_172 : vector<16xi32>
          %add3A_174 = arith.constant 16 : i32
          %add3A_175 = vector.broadcast %add3A_174 : i32 to vector<16xi32>
          %add3A_176 = arith.addi %xor3A_170, %add3A_175 : vector<16xi32>
          %select_n3A_177 = arith.select %lt3A_173, %add3A_176, %xor3A_170 : vector<16xi1>, vector<16xi32>
          %broadcast_in_dim3A_178 = vector.shape_cast %select_n3A_177 : vector<16xi32> to vector<16x1xi32>
          %gather3A_179 = vector.shape_cast %broadcast_in_dim3A_178 : vector<16x1xi32> to vector<16xi32>
          %gather3A_180 = tpu.dynamic_gather %max3A_167[%gather3A_179] in [0] : vector<16xi32>, vector<16xi32> -> vector<16xi32>
          %max3A_181 = arith.maxsi %max3A_167, %gather3A_180 : vector<16xi32>
          %eq3A = vector.broadcast %scan3A_121 : i32 to vector<16xi32>
          %eq3A_182 = arith.cmpi eq, %iota3A, %eq3A : vector<16xi32>
          %select_n3A_183 = arith.select %eq3A_182, %max3A_181, %scan3A_126 : vector<16xi1>, vector<16xi32>
          %eq3A_184 = arith.cmpi eq, %scan3A_122, %max3A_181 : vector<16xi32>
          %jit3A_185 = arith.constant -1 : i32
          %broadcast_in_dim3A_186 = vector.broadcast %jit3A_185 : i32 to vector<16xi32>
          %select_n3A_187 = arith.select %eq3A_184, %broadcast_in_dim3A_186, %scan3A_122 : vector<16xi1>, vector<16xi32>
          %eq3A_188 = arith.cmpi eq, %scan3A_123, %max3A_181 : vector<16xi32>
          %jit3A_189 = arith.constant -1 : i32
          %broadcast_in_dim3A_190 = vector.broadcast %jit3A_189 : i32 to vector<16xi32>
          %select_n3A_191 = arith.select %eq3A_188, %broadcast_in_dim3A_190, %scan3A_123 : vector<16xi1>, vector<16xi32>
          %eq3A_192 = arith.cmpi eq, %scan3A_124, %max3A_181 : vector<16xi32>
          %jit3A_193 = arith.constant -1 : i32
          %broadcast_in_dim3A_194 = vector.broadcast %jit3A_193 : i32 to vector<16xi32>
          %select_n3A_195 = arith.select %eq3A_192, %broadcast_in_dim3A_194, %scan3A_124 : vector<16xi1>, vector<16xi32>
          %eq3A_196 = arith.cmpi eq, %scan3A_125, %max3A_181 : vector<16xi32>
          %jit3A_197 = arith.constant -1 : i32
          %broadcast_in_dim3A_198 = vector.broadcast %jit3A_197 : i32 to vector<16xi32>
          %select_n3A_199 = arith.select %eq3A_196, %broadcast_in_dim3A_198, %scan3A_125 : vector<16xi1>, vector<16xi32>
          scf.yield %select_n3A_187, %select_n3A_191, %select_n3A_195, %select_n3A_199, %select_n3A_183 : vector<16xi32>, vector<16xi32>, vector<16xi32>, vector<16xi32>, vector<16xi32>
        }
        %scan3A_115 = arith.constant 8 : i32
        %swap3A = arith.index_cast %scan3A_22 : i32 to index
        %swap3A_116 = arith.constant 0 : index
        %swap3A_117 = tpu.vector_load %arg5[%swap3A, %swap3A_116] {strides = array<i32>} : memref<128x16xi32, #tpu.memory_space<vmem>>, vector<1x16xi32>,
        %swap3A_118 = vector.shape_cast %swap3A_117 : vector<1x16xi32> to vector<16xi32>
        %swap3A_119 = vector.shape_cast %scan3A_114#4 : vector<16xi32> to vector<1x16xi32>
        tpu.vector_store %arg5[%swap3A, %swap3A_116], %swap3A_119 {strides = array<i32>} : memref<128x16xi32, #tpu.memory_space<vmem>>, vector<1x16xi32>,
        %scan3A_120 = arith.constant 0 : i32
        scf.yield %scan3A_120 : i32
      }
      %scan3A_20 = arith.constant 128 : i32
      "tpu.region"() ({
        %run_scoped3A = tpu.sem_alloc : memref<!tpu.dma_semaphore, #tpu.memory_space<semaphore_mem>>
        %dma_start3A = arith.constant 0 : i32
        %dma_start3A_22 = tpu.memref_slice %arg3[%add3A_13, %dma_start3A] : memref<32768x16xi32, #tpu.memory_space<hbm>> -> memref<128x16xi32, #tpu.memory_space<hbm>>
        %dma_start3A_23 = arith.constant 0 : i32
        %dma_start3A_24 = tpu.memref_slice %arg3[%add3A_13, %dma_start3A_23] : memref<32768x16xi32, #tpu.memory_space<hbm>> -> memref<128x16xi32, #tpu.memory_space<hbm>>
        tpu.enqueue_dma source(%arg5 : memref<128x16xi32, #tpu.memory_space<vmem>>) target(%dma_start3A_24 : memref<128x16xi32, #tpu.memory_space<hbm>>) target_semaphore(%run_scoped3A : memref<!tpu.dma_semaphore, #tpu.memory_space<semaphore_mem>>)
        %dma_wait3A = arith.constant 0 : i32
        %dma_wait3A_25 = tpu.memref_slice %arg3[%add3A_13, %dma_wait3A] : memref<32768x16xi32, #tpu.memory_space<hbm>> -> memref<128x16xi32, #tpu.memory_space<hbm>>
        %dma_wait3A_26 = arith.constant 0 : i32
        %dma_wait3A_27 = tpu.memref_slice %arg3[%add3A_13, %dma_wait3A_26] : memref<32768x16xi32, #tpu.memory_space<hbm>> -> memref<128x16xi32, #tpu.memory_space<hbm>>
        tpu.wait_dma2 semaphore(%run_scoped3A : memref<!tpu.dma_semaphore, #tpu.memory_space<semaphore_mem>>) src(%arg5 : memref<128x16xi32, #tpu.memory_space<vmem>>) dst(%dma_wait3A_27 : memref<128x16xi32, #tpu.memory_space<hbm>>)
        tpu.yield
      }) : () -> ()
      %scan3A_21 = arith.constant 0 : i32
      scf.yield %scan3A_21 : i32
    }
    %scan3A_8 = arith.constant 8 : i32
    return
  }
}

module attributes {stable_mosaic.version = 14 : i64} {
  func.func @_score_kernel(%arg0: i32, %arg1: memref<1024x4096xf32, #tpu.memory_space<vmem>>, %arg2: memref<64x4096xf32, #tpu.memory_space<vmem>>, %arg3: memref<1024x64xf32, #tpu.memory_space<vmem>>) attributes {dimension_semantics = [#tpu.dimension_semantics<arbitrary>], iteration_bounds = array<i64: 32>, scalar_prefetch = 0 : i64, scratch_operands = 0 : i64, tpu.core_type = #tpu.core_type<tc>, window_params = [{transform_indices = @transform_0, window_bounds = array<i64: 1024, 4096>}, {pipeline_mode = #tpu.pipeline_mode<synchronous>, transform_indices = @transform_1, window_bounds = array<i64: 64, 4096>}, {transform_indices = @transform_2, window_bounds = array<i64: 1024, 64>}]} {
    %get3A = arith.constant 0 : index
    %get3A_0 = arith.constant 0 : index
    %get3A_1 = vector.load %arg1[%get3A, %get3A_0] : memref<1024x4096xf32, #tpu.memory_space<vmem>>, vector<1024x4096xf32>
    %get3A_2 = arith.constant 0 : index
    %get3A_3 = arith.constant 0 : index
    %get3A_4 = vector.load %arg2[%get3A_2, %get3A_3] : memref<64x4096xf32, #tpu.memory_space<vmem>>, vector<64x4096xf32>
    %dot_general3A = arith.constant dense<0.000000e+00> : vector<1024x64xf32>
    %dot_general3A_5 = tpu.matmul %get3A_1, %get3A_4, %dot_general3A {dimension_numbers = #tpu.dot_dimension_numbers<[1], [1], [0], [0], [0, 0, 1, 0], [], []>, transpose_lhs_hint = false} : vector<1024x4096xf32>, vector<64x4096xf32>, vector<1024x64xf32> -> vector<1024x64xf32>
    %logistic3A = arith.negf %dot_general3A_5 : vector<1024x64xf32>
    %logistic3A_6 = math.exp %logistic3A : vector<1024x64xf32>
    %logistic3A_7 = arith.constant 1.000000e+00 : f32
    %logistic3A_8 = vector.broadcast %logistic3A_7 : f32 to vector<1024x64xf32>
    %logistic3A_9 = arith.addf %logistic3A_8, %logistic3A_6 : vector<1024x64xf32>
    %logistic3A_10 = arith.divf %logistic3A_8, %logistic3A_9 : vector<1024x64xf32>
    %swap3A = arith.constant 0 : index
    %swap3A_11 = arith.constant 0 : index
    %swap3A_12 = vector.load %arg3[%swap3A, %swap3A_11] : memref<1024x64xf32, #tpu.memory_space<vmem>>, vector<1024x64xf32>
    tpu.vector_store %arg3[%swap3A, %swap3A_11], %logistic3A_10 {strides = array<i32>} : memref<1024x64xf32, #tpu.memory_space<vmem>>, vector<1024x64xf32>,
    return
  }
  func.func @transform_0(%arg0: i32) -> (i32, i32) {
    %c0_i32 = arith.constant 0 : i32
    %c0_i32_0 = arith.constant 0 : i32
    return %arg0, %c0_i32 : i32, i32
  }
  func.func @transform_1(%arg0: i32) -> (i32, i32) {
    %c0_i32 = arith.constant 0 : i32
    %c0_i32_0 = arith.constant 0 : i32
    %c0_i32_1 = arith.constant 0 : i32
    return %c0_i32, %c0_i32_0 : i32, i32
  }
  func.func @transform_2(%arg0: i32) -> (i32, i32) {
    %c0_i32 = arith.constant 0 : i32
    %c0_i32_0 = arith.constant 0 : i32
    return %arg0, %c0_i32 : i32, i32
  }
}

</mosaic_0001>

<sc_bundles>
// kernel: kernel.4.cloned.1.call-start
scs
__scs_entry_jumppad:
0x0: {  	(pc) =	sbr.rel $0x88, $3  }
0x1: {  	(tag) =	ssettag $0x0;
	lr =	simm.s32 $0x1  }
0x2: {  	[smem:$0x3F9F] =	sst lr;
	_ =	strace $0xD0000000  }
0x3: {  	_ = 	snop  }
0x4: {  	_ = 	snop  }
0x5: {  	_ = 	snop  }
0x6: {  	_ = 	snop  }
0x7: {  	_ = 	snop  }
__scs_overlays_trampoline_lowered:
0x8: {  	[smem:$0x3FAE] =	sst s0  }
0x9: {  	[smem:$0x3FAF] =	sst s1  }
0xa: {  	[smem:$0x3FB0] =	sst s2  }
0xb: {  	[smem:$0x3FB1] =	sst s3  }
0xc: {  	[smem:$0x3FB2] =	sst s4  }
0xd: {  	[smem:$0x3FB3] =	sst s5  }
0xe: {  	[smem:$0x3FB4] =	sst s6  }
0xf: {  	[smem:$0x3FB5] =	sst s7  }
0x10: {  	[smem:$0x3FB6] =	sst s8  }
0x11: {  	[smem:$0x3FB7] =	sst s9;
	s0 =	simm.s32 @!p0 $0x0  }
0x12: {  	s1 =	sld [smem:$0x3F9D];
	s0 =	simm.s32 @p0 $0x1  }
0x13: {  	[smem:$0x3FB8] =	sst s0;
	s0 =	simm.s32 @!p1 $0x0  }
0x14: {  	s2 =	sld [smem:$0x3F9C];
	s0 =	simm.s32 @p1 $0x1  }
0x15: {  	[smem:$0x3FB9] =	sst s0;
	s0 =	simm.s32 @!p2 $0x0  }
0x16: {  	s3 =	sld [smem:$0x3FDB];
	s0 =	simm.s32 @p2 $0x1  }
0x17: {  	s4 =	simm.s32 $0x1BF5;
	[smem:$0x3FBB] =	sst s0  }
0x18: {  	s0 =	sld [smem:$0x3F9E];
	_ =	swait.ge [sflag:s4], $0x0  }
0x19: {  	s7 =	sld [smem:$0x3F9F]  }
0x1a: {  	s8 =	sadd.s32 $0xFFFFE003, lr  }
0x1b: {  	s9 =	sadd.s32 $0xFFFFFEF7, lr;
	s5 =	simm.s32 $0xFFFFFFFF;
	p2 =	slt.u32 s8, $0xFFFFF086  }
0x1c: {  	p1 =	slt.u32 s9, $0xF7A;
	s5 =	simm.s32 @!p2 $0x0  }
0x1d: {  	s5 =	simm.s32 @p1 $0x1;
	p0 =	seq.s32 s7, s2  }
0x1e: {  	s7 =	smul.u32 @!p0 $0xF7A, s2;
	p2 =	seq.s32 @!p0 s5, $0x0  }
0x1f: {  	s9 =	smul.u32 $0xF7A, s1;
	s8 =	simm.s32 @!p0 $0x1BF5;
	p2 =	por !p2, p0  }
0x20: {  	[sflag:s8] =	ssyncset.s32 @!p0 $0xFFFFF086;
	s6 =	sadd.s32 @!p0 s3, s7;
	s7 =	simm.s32 @!p0 $0x108  }
0x21: {  	s3 =	sadd.s32 s3, s9;
	s6 =	sadd.s32 @!p0 $0x88, s6;
	s7 =	simm.s32 @p2 $0x1082  }
0x22: {  	[simem:s7], [sflag:s8] =	dma.local @!p0 [hbm:s6], $0xF7A  }
0x23: {  	s9 =	sor.u32 $0xD0000000, s2;
	s6 =	simm.s32 $0x108;
	_ =	swait.ge @!p0 [sflag:s8], $0x0  }
0x24: {  	s3 =	sadd.s32 $0x88, s3;
	s6 =	simm.s32 @!p1 $0x1082;
	[sflag:s4] =	ssyncset.s32 $0xFFFFF086  }
0x25: {  	[simem:s6], [sflag:s4] =	dma.local [hbm:s3], $0xF7A  }
0x26: {  	[smem:$0x3F9F] =	sst s1;
	(tag) =	ssettag s2;
	_ =	strace s9  }
0x27: {  	s1 =	sld [smem:$0x3FAF]  }
0x28: {  	s2 =	sld [smem:$0x3FB0]  }
0x29: {  	s4 =	sld [smem:$0x3FB2]  }
0x2a: {  	p0 =	seq.s32 s5, $0x0;
	s5 =	sld [smem:$0x3FB3]  }
0x2b: {  	s6 =	sld [smem:$0x3FB4]  }
0x2c: {  	s7 =	sld [smem:$0x3FB5]  }
0x2d: {  	s3 =	simm.s32 $0x108;
	s8 =	sld [smem:$0x3FB6]  }
0x2e: {  	s3 =	simm.s32 @!p0 $0x1082;
	s9 =	sld [smem:$0x3FB7]  }
0x2f: {  	lr =	sadd.s32 s0, s3;
	s0 =	sld [smem:$0x3FAE]  }
0x30: {  	s3 =	sld [smem:$0x3FB1]  }
0x31: {  	[smem:$0x3FBA] =	sst s10  }
0x32: {  	s10 =	sld [smem:$0x3FB8];
	_ =	sdelay $0x3  }
0x33: {  	p0 =	seq.s32 s10, $0x1;
	s10 =	sld [smem:$0x3FBA];
	_ =	sdelay $0x3  }
0x34: {  	[smem:$0x3FBA] =	sst s10  }
0x35: {  	s10 =	sld [smem:$0x3FB9];
	_ =	sdelay $0x3  }
0x36: {  	p1 =	seq.s32 s10, $0x1;
	s10 =	sld [smem:$0x3FBA];
	_ =	sdelay $0x3  }
0x37: {  	[smem:$0x3FBA] =	sst s10  }
0x38: {  	s10 =	sld [smem:$0x3FBB]  }
0x39: {  	_ = 	snop;
	(pc) =	sbr.ind lr, $3  }
0x3a: {  	_ = 	snop  }
0x3b: {  	_ = 	snop  }
0x3c: {  	p2 =	seq.s32 s10, $0x1;
	s10 =	sld [smem:$0x3FBA]  }
0x3d: {  	_ =	shalt  }
0x3e: {  	_ =	shalt  }
0x3f: {  	_ =	shalt  }
0x40: {  	_ =	shalt  }
0x41: {  	_ =	shalt  }
0x42: {  	_ =	shalt  }
0x43: {  	_ =	shalt  }
0x44: {  	_ =	shalt  }
0x45: {  	_ =	shalt  }
0x46: {  	_ =	shalt  }
0x47: {  	_ =	shalt  }
0x48: {  	_ =	shalt  }
0x49: {  	_ =	shalt  }
0x4a: {  	_ =	shalt  }
0x4b: {  	_ =	shalt  }
0x4c: {  	_ =	shalt  }
0x4d: {  	_ =	shalt  }
0x4e: {  	_ =	shalt  }
0x4f: {  	_ =	shalt  }
0x50: {  	_ =	shalt  }
0x51: {  	_ =	shalt  }
0x52: {  	_ =	shalt  }
0x53: {  	_ =	shalt  }
0x54: {  	_ =	shalt  }
0x55: {  	_ =	shalt  }
0x56: {  	_ =	shalt  }
0x57: {  	_ =	shalt  }
0x58: {  	_ =	shalt  }
0x59: {  	_ =	shalt  }
0x5a: {  	_ =	shalt  }
0x5b: {  	_ =	shalt  }
0x5c: {  	_ =	shalt  }
0x5d: {  	_ =	shalt  }
0x5e: {  	_ =	shalt  }
0x5f: {  	_ =	shalt  }
0x60: {  	_ =	shalt  }
0x61: {  	_ =	shalt  }
0x62: {  	_ =	shalt  }
0x63: {  	_ =	shalt  }
0x64: {  	_ =	shalt  }
0x65: {  	_ =	shalt  }
0x66: {  	_ =	shalt  }
0x67: {  	_ =	shalt  }
0x68: {  	_ =	shalt  }
0x69: {  	_ =	shalt  }
0x6a: {  	_ =	shalt  }
0x6b: {  	_ =	shalt  }
0x6c: {  	_ =	shalt  }
0x6d: {  	_ =	shalt  }
0x6e: {  	_ =	shalt  }
0x6f: {  	_ =	shalt  }
0x70: {  	_ =	shalt  }
0x71: {  	_ =	shalt  }
0x72: {  	_ =	shalt  }
0x73: {  	_ =	shalt  }
0x74: {  	_ =	shalt  }
0x75: {  	_ =	shalt  }
0x76: {  	_ =	shalt  }
0x77: {  	_ =	shalt  }
0x78: {  	_ =	shalt  }
0x79: {  	_ =	shalt  }
0x7a: {  	_ =	shalt  }
0x7b: {  	_ =	shalt  }
0x7c: {  	_ =	shalt  }
0x7d: {  	_ =	shalt  }
0x7e: {  	_ =	shalt  }
0x7f: {  	_ =	shalt  }
0x80: {  	_ =	shalt  }
0x81: {  	_ =	shalt  }
0x82: {  	_ =	shalt  }
0x83: {  	_ =	shalt  }
0x84: {  	_ =	shalt  }
0x85: {  	_ =	shalt  }
0x86: {  	_ =	shalt  }
0x87: {  	_ =	shalt  }
.Lfunc_end0:
.L_simem_size_0:
called_computation_lowered:
.L_overlay_start_0:
0x88: {  	s2 =	sld [smem:$0x3FD9]  }
0x89: {  	s3 =	sld [smem:$0x3FFE];
	_ =	sdelay $0x1  }
0x8a: {  	s1 =	srdreg.scid  }
0x8b: {  	s0 =	sand.u32 $0x1, s1  }
0x8c: {  	s16 =	sshll.u32 s0, $0xA;
	s2 =	sadd.s32 s3, s2  }
0x8d: {  	s2 =	sadd.s32 s2, s16  }
0x8e: {  	[smem:$0x3FC6] =	sst s2  }
0x8f: {  	_ = 	snop  }
0x90: {  	(tm) =	ssettm $0x1  }
0x91: {  	s17 =	sld [smem:$0x3FFB];
	_ =	sdelay $0x3  }
0x92: {  	_ =	strace s17  }
0x93: {  	s2 =	sld [smem:$0x3FFC];
	_ =	sdelay $0x3  }
0x94: {  	_ =	strace s2  }
0x95: {  	s2 =	sld [smem:$0x3FFD];
	_ =	sdelay $0x3  }
0x96: {  	_ =	strace s2  }
0x97: {  	_ =	strace $0x8FFFFFFF  }
0x98: {  	s18 =	sld [smem:$0x3FDB];
	_ =	sdelay $0x1  }
0x99: {  	s19 =	simm.s32 $_scs_section_size  }
0x9a: {  	s4 =	simm.s32 $_size__tile_overlayer_lowered;
	s5 =	simm.s32 $_tile_overlayer_lowered  }
0x9b: {  	s22 =	simm.s32 $0x1BFF;
	s21 =	sshll.u32 s5, $0x1;
	s2 =	sadd.s32 s19, s18  }
0x9c: {  	s6 =	simm.s32 $0x0;
	s20 =	sshll.u32 s4, $0x1;
	s4 =	sadd.s32 s21, s2  }
0x9d: {  	[timem:s6], [sflag:s22] =	dma.local [hbm:s4], s20  }
0x9e: {  	_ =	swait.ge [sflag:s22], s20  }
0x9f: {  	s3 =	ssub.s32 $0x0, s20;
	[sflag:s22] =	ssyncset.done $0x0  }
0xa0: {  	[sflag:s22] =	ssyncadd.s32 s3;
	_ =	sdelay $0x1  }
0xa1: {  	s23 =	simm.s32 $0x1B8B  }
0xa2: {  	_ =	swait.ge [sflag:s23], $0x1  }
0xa3: {  	[sflag:s23] =	ssyncset.done $0x0  }
0xa4: {  	s25 =	simm.s32 $0x1B8E;
	s24 =	sld [smem:$0x3FFE];
	[sflag:s23] =	ssyncadd.s32 $0xFFFFFFFF  }
0xa5: {  	s26 =	simm.s32 $execute0_lowered;
	[smem:$0x3FD2] =	sst s25  }
0xa6: {  	s4 =	sshll.u32 s26, $0x1;
	_ =	strace $0x80000046;
	[dreg:$0x1] =	wrdreg $0xFFFFFFFF  }
0xa7: {  	s28 =	simm.s32 $_size_execute0_lowered;
	s2 =	sadd.s32 s2, s4;
	[dreg:$0x0] =	wrdreg $0x0  }
0xa8: {  	s4 =	sshll.u32 s28, $0x1;
	[dreg:$0x2] =	wrdreg s2  }
0xa9: {  	[dreg:$0x3] =	wrdreg s4  }
0xaa: {  	[dreg:$0x4] =	wrdreg $0xC0  }
0xab: {  	_ =	task [dreg:s6], $0x5FFFF  }
0xac: {  	[dreg:$0x1] =	wrdreg $0xFFFFFFFF  }
0xad: {  	[dreg:$0x0] =	wrdreg $0x60  }
0xae: {  	[dreg:$0x2] =	wrdreg s24  }
0xaf: {  	[dreg:$0x3] =	wrdreg $0x9  }
0xb0: {  	_ =	task.clear_ibuf [dreg:s6], $0x4FFFF;
	_ =	strace $0x90000046  }
0xb1: {  	s29 =	simm.s32 $0x9;
	_ =	strace $0x80000048  }
0xb2: {  	_ =	swait.ge [sflag:s29], $0x1  }
0xb3: {  	[sflag:s29] =	ssyncadd.s32 $0xFFFFFFFF  }
0xb4: {  	_ =	strace $0x90000048  }
0xb5: {  	_ =	sfence  }
0xb6: {  	s30 =	sld [smem:$0x0];
	_ =	sdelay $0x2  }
0xb7: {  	s31 =	sshll.u32 s1, $0xD;
	s1 =	sshrl.u32 s1, $0x2  }
0xb8: {  	s3 =	sand.u32 $0x4000, s31;
	s1 =	sadd.s32 s1, s30  }
0xb9: {  	s0 =	sor.u32 s3, s0;
	s1 =	sshll.u32 s1, $0x11  }
0xba: {  	s0 =	sor.u32 s1, s0  }
0xbb: {  	s0 =	sadd.s32 $0x8F2B, s0  }
0xbc: {  	[sflag:s0] =	ssyncadd.remote.s32 $0x1  }
0xbd: {  	_ =	sfence.sel $0xFFFF  }
0xbe: {  	[dreg:$0x0] =	wrdreg $0xFFFFFFFF;
	(pc) =	sbr.abs _section_cstart, $3  }
0xbf: {  	[dreg:$0x1] =	wrdreg $0xFFFFFFFF  }
0xc0: {  	_ =	task.clear_ibuf [dreg:s6], $0x2FFFF;
	_ =	strace $0x9FFFFFFF  }
0xc1: {  	(tm) =	ssettm $0x7FFFFFFF  }
tec
execute0_lowered:
.L_overlay_start_1:
0x0: {  	(tag) =	ssettag $0x1  }
0x1: {  	v0 =	vimm.s32 $0xFEDCBA98;
	v1 =	vimm.s32 $0x76543210  }
0x2: {  	v3 =	vimm.s32 $0x32107654;
	v4 =	vimm.s32 $0xDCFE98BA;
	v0 =	vunpack.c.l.s4.s8 v0  }
0x3: {  	v5 =	vimm.s32 $0x54761032;
	v6 =	vimm.s32 $0xEFCDAB89;
	v1 =	vunpack.c.l.s4.s8 v1  }
0x4: {  	v8 =	vimm.s32 $0x67452301;
	v3 =	vunpack.c.l.s4.s8 v3;
	v2 =	vunpack.c.0.s8.s32 v0  }
0x5: {  	s4 =	rddreg [dreg:$0x0];
	v4 =	vunpack.c.l.s4.s8 v4;
	v5 =	vunpack.c.l.s4.s8 v5;
	v1 =	vunpack.c.0.s8.s32 v1  }
0x6: {  	s0 =	rddreg [dreg:$0x1];
	s1 =	simm.s32 $0x0;
	v6 =	vunpack.c.l.s4.s8 v6;
	v8 =	vunpack.c.l.s4.s8 v8;
	v2 =	vand.u32 $0xF, v2  }
0x7: {  	s2 =	srdreg.scid;
	s8 =	simm.s32 $0x4000;
	s9 =	simm.s32 $0x0;
	v0 =	vlaneseq.u32;
	v1 =	vcombine.low v2, v1;
	v2 =	vimm.s32 $0xBA98FEDC  }
0x8: {  	s12 =	simm.s32 $0x0;
	[smem:$0x7FF] =	sst s1;
	s5 =	sand.u32 $0x1, s2;
	v10 =	vunpack.c.0.s8.s32 v4;
	v5 =	vunpack.c.0.s8.s32 v5;
	v2 =	vunpack.c.l.s4.s8 v2  }
0x9: {  	s3 =	sadd.s32 $0x400, s4;
	s2 =	stileid.u32;
	s6 =	ssub.s32 $0x2, s5;
	v11 =	vunpack.c.0.s8.s32 v6;
	v8 =	vunpack.c.0.s8.s32 v8;
	v7 =	vmul.u32 $0xFFFFFFFF, v0  }
0xa: {  	s4 =	sadd.s32 $0x80400, s4;
	_ =	strace $0x80000047;
	s7 =	sshrl.u32 s6, $0x1;
	v3 =	vunpack.c.0.s8.s32 v3;
	v5 =	vcombine.low v5, v10;
	v9 =	vunpack.c.0.s8.s32 v2  }
0xb: {  	s31 =	sshll.u32 s2, $0xF;
	s5 =	sshll.u32 s5, $0xE;
	s6 =	ssub.s32 s6, s7;
	v8 =	vcombine.low v8, v11;
	v4 =	vadd.s32 $0x9F80002F, v7;
	v6 =	vadd.s32 $0x9F80001F, v7  }
0xc: {  	s5 =	sor.u32 s5, s31;
	s7 =	simm.s32 $0x1;
	s6 =	smax.u32 s6, $0x1;
	v2 =	vadd.s32 $0x9F80003F, v7;
	v7 =	vadd.s32 $0x9F80000F, v7;
	v3 =	vcombine.low v3, v9  }
.LBB2_1:
0xd: {  	s10 =	simm.s32 $0x0  }
.LBB2_2:
0xe: {  	s11 =	sshll.u32 s10, $0xB  }
0xf: {  	s11 =	sadd.s32 s5, s11  }
0x10: {  	s13 =	sadd.s32 s3, s11  }
0x11: {  	[tilespmem:s12], [sflag:$0x1] =	stream.linear.gather [hbm4b:s13+s12], $0x4000, $0x38;
	[tilespmem:$0x8000] =	vst v63  }
0x12: {  	_ =	swait.ge [sflag:s7], $0x4000  }
0x13: {  	[sflag:s7] =	ssyncset.done $0x0  }
0x14: {  	s13 =	simm.s32 $0x0;
	[sflag:s7] =	ssyncadd.s32 $0xFFFFC000  }
.LBB2_3:
0x15: {  	s14 =	sshll.u32 s13, $0x7  }
0x16: {  	v9 =	vld [tilespmem:s14+$0x0]  }
0x17: {  	v12 =	vld [tilespmem:s14+$0x30]  }
0x18: {  	v10 =	vld [tilespmem:s14+$0x10]  }
0x19: {  	v11 =	vld [tilespmem:s14+$0x20];
	_ =	sdelay $0x2  }
0x1a: {  	vm0 =	vgt.s32 v9, $0x3D820000;
	vm1 =	vgt.s32 v12, $0x3D820000  }
0x1b: {  	v9 =	vnsel vm0, $0x3D820000, v9;
	vm0 =	vgt.s32 v10, $0x3D820000;
	v12 =	vnsel vm1, $0x3D820000, v12  }
0x1c: {  	v9 =	vmin.u32 v9, $0x3F7FFFFF;
	v10 =	vnsel vm0, $0x3D820000, v10;
	vm0 =	vgt.s32 v11, $0x3D820000  }
0x1d: {  	v12 =	vmin.u32 v12, $0x3F7FFFFF;
	v9 =	vshll.u32 v9, $0x6;
	v11 =	vnsel vm0, $0x3D820000, v11  }
0x1e: {  	v10 =	vmin.u32 v10, $0x3F7FFFFF;
	v12 =	vshll.u32 v12, $0x6;
	v11 =	vmin.u32 v11, $0x3F7FFFFF  }
0x1f: {  	v9 =	vadd.s32 v2, v9;
	v10 =	vshll.u32 v10, $0x6;
	v11 =	vshll.u32 v11, $0x6  }
0x20: {  	v12 =	vadd.s32 v7, v12;
	v10 =	vadd.s32 v4, v10;
	v11 =	vadd.s32 v6, v11  }
0x21: {  	vm0 =	vgt.s32 v9, v10;
	vm1 =	vgt.s32 v11, v12  }
0x22: {  	v13 =	vsel vm0, v9, v10;
	v14 =	vsel vm1, v11, v12  }
0x23: {  	vm0 =	vgt.s32 v13, v14  }
0x24: {  	v13 =	vsel vm0, v13, v14  }
0x25: {  	v14 =	vperm.xlane v13, v1;
	_ =	sdelay $0x1  }
0x26: {  	vm0 =	vgt.s32 v13, v14  }
0x27: {  	v13 =	vsel vm0, v13, v14  }
0x28: {  	v14 =	vperm.xlane v13, v3;
	_ =	sdelay $0x1  }
0x29: {  	vm0 =	vgt.s32 v13, v14  }
0x2a: {  	v13 =	vsel vm0, v13, v14  }
0x2b: {  	v14 =	vperm.xlane v13, v5;
	_ =	sdelay $0x1  }
0x2c: {  	vm0 =	vgt.s32 v13, v14  }
0x2d: {  	v13 =	vsel vm0, v13, v14  }
0x2e: {  	v14 =	vperm.xlane v13, v8;
	_ =	sdelay $0x1  }
0x2f: {  	v15 =	vmov s12;
	vm0 =	vgt.s32 v13, v14  }
0x30: {  	v16 =	vimm.s32 $0x0;
	v14 =	vsel vm0, v13, v14;
	vm0 =	veq.s32 v15, v0  }
0x31: {  	s15 =	simm.s32 $0x1;
	v13 =	vsel vm0, v14, v16;
	vm1 =	veq.s32 v10, v14;
	vm0 =	veq.s32 v11, v14  }
.LBB2_4:
0x32: {  	p0 =	sne.s32 s15, $0x7;
	vm2 =	veq.s32 v9, v14;
	v10 =	vsel vm1, $0xFFFFFFFF, v10;
	vm1 =	veq.s32 v12, v14;
	s16 =	smov.u32 s15;
	s15 =	sadd.s32 $0x1, s15  }
0x33: {  	v11 =	vsel vm0, $0xFFFFFFFF, v11;
	v9 =	vsel vm2, $0xFFFFFFFF, v9;
	v12 =	vsel vm1, $0xFFFFFFFF, v12  }
0x34: {  	vm0 =	vgt.s32 v9, v10;
	vm1 =	vgt.s32 v11, v12  }
0x35: {  	v14 =	vsel vm0, v9, v10;
	v15 =	vsel vm1, v11, v12  }
0x36: {  	vm0 =	vgt.s32 v14, v15  }
0x37: {  	v14 =	vsel vm0, v14, v15  }
0x38: {  	v15 =	vperm.xlane v14, v1;
	_ =	sdelay $0x1  }
0x39: {  	vm0 =	vgt.s32 v14, v15  }
0x3a: {  	v14 =	vsel vm0, v14, v15  }
0x3b: {  	v15 =	vperm.xlane v14, v3;
	_ =	sdelay $0x1  }
0x3c: {  	vm0 =	vgt.s32 v14, v15  }
0x3d: {  	v14 =	vsel vm0, v14, v15  }
0x3e: {  	v15 =	vperm.xlane v14, v5;
	_ =	sdelay $0x1  }
0x3f: {  	vm0 =	vgt.s32 v14, v15  }
0x40: {  	v14 =	vsel vm0, v14, v15  }
.Ltmp0:
0x41: {  	v15 =	vperm.xlane v14, v8;
	(pc) =	sbr.rel @p0 .LBB2_4-.Ltmp0, $4  }
0x42: {  	_ = 	snop  }
0x43: {  	v16 =	vmov s16;
	vm0 =	vgt.s32 v14, v15  }
0x44: {  	v14 =	vsel vm0, v14, v15;
	vm0 =	veq.s32 v16, v0  }
0x45: {  	v13 =	vsel vm0, v14, v13;
	vm1 =	veq.s32 v10, v14;
	vm0 =	veq.s32 v11, v14  }
0x46: {  	s13 =	sadd.s32 $0x1, s13  }
0x47: {  	p0 =	sne.s32 s13, $0x80  }
.Ltmp1:
0x48: {  	_ = 	snop;
	(pc) =	sbr.rel @p0 .LBB2_3-.Ltmp1, $2  }
0x49: {  	_ =	sdelay $0x2  }
0x4a: {  	[tilespmem:s14+$0x4000] =	vst v13  }
0x4b: {  	s10 =	sadd.s32 $0x1, s10  }
0x4c: {  	p0 =	sne.s32 s10, $0x8  }
.Ltmp2:
0x4d: {  	s11 =	sadd.s32 s4, s11;
	(pc) =	sbr.rel @p0 .LBB2_2-.Ltmp2, $4  }
0x4e: {  	[hbm4b:s11+s1] =	stream.linear.scatter [tilespmem:s8], [sflag:$0x1], $0x4000, $0x38;
	[tilespmem:$0x8000] =	vst v63  }
0x4f: {  	_ =	swait.ge [sflag:s7], $0x4000  }
0x50: {  	[sflag:s7] =	ssyncset.done $0x0  }
0x51: {  	[sflag:s7] =	ssyncadd.s32 $0xFFFFC000  }
0x52: {  	s9 =	sadd.s32 $0x1, s9  }
0x53: {  	p0 =	sne.s32 s9, s6  }
.Ltmp3:
0x54: {  	_ = 	snop;
	(pc) =	sbr.rel @p0 .LBB2_1-.Ltmp3, $1  }
0x55: {  	_ =	sdelay $0x3  }
0x56: {  	_ =	sfence.sel $0x180000  }
0x57: {  	[bflag:$0x0] =	sbarrier.arrive $0xFFFF  }
0x58: {  	p0 =	sne.s32 s2, $0x0;
	_ =	strace $0x90000047  }
0x59: {  	s0 =	sadd.s32 @!p0 $0x100000, s0;
	[bflag:$0x2] =	sbarrier.arrive $0xFFFF  }
0x5a: {  	[sflag:s0] =	ssyncadd.tile.s32 @!p0 $0x1;
	_ =	shalt  }
.Lfunc_end2:
_tile_overlayer_lowered:
.L_overlay_start_2:
0x5b: {  	(tag) =	ssettag $0x2  }
0x5c: {  	s0 =	rddreg [dreg:$0x0];
	s2 =	stileid.u32  }
0x5d: {  	s1 =	rddreg [dreg:$0x1];
	p0 =	sne.s32 s2, $0x0  }
0x5e: {  	s3 =	rddreg [dreg:$0x2];
	[bflag:$0x3] =	sbarrier.arrive $0xFFFF;
	s2 =	simm.s32 @!p0 $0x1C01  }
0x5f: {  	[timem:s3], [sflag:s2] =	dma.local @!p0 [hbm:s0], s1  }
0x60: {  	s0 =	simm.s32 @!p0 $0x1  }
0x61: {  	_ =	swait.ge @!p0 [sflag:s0], s1  }
0x62: {  	s1 =	ssub.s32 @!p0 $0x0, s1;
	[sflag:s0] =	ssyncset.done @!p0 $0x0  }
0x63: {  	[sflag:s0] =	ssyncadd.s32 @!p0 s1  }
0x64: {  	[bflag:$0x3] =	sbarrier.arrive $0xFFFF  }
0x65: {  	_ =	shalt  }

</sc_bundles>
